<compile_context>
chip_gen: v7x
topology: tpu7x:2x2x1
jax: 0.10.2.dev20260603
libtpu: 0.0.44.dev20260713+nightly
codegen_flags: <defaults>
</compile_context>

<pallas_src>
import jax
import jax.numpy as jnp
from jax import lax
from jax.experimental import pallas as pl
from jax.experimental.pallas import tpu as pltpu
from jax.experimental.pallas import tpu_sc as plsc

_N_CODES = 1024
_DIM = 64
_ROWS = 2048

_NC = 2
_NS = 16
_NW = _NC * _NS
_CHUNK = 128


def _argmin_body(x_ref, e2x_ref, e2_ref, wt_ref, idx_ref, idxb_ref, loss_ref):
    xt = x_ref[...].T
    norm = jnp.sqrt(jnp.sum(xt * xt, axis=0, keepdims=True))
    xnt = xt / jnp.maximum(norm, 1e-12)
    x2 = jnp.sum(xnt * xnt, axis=0, keepdims=True)
    dot2 = lax.dot_general(
        e2x_ref[...], xnt, (((1,), (0,)), ((), ())),
        preferred_element_type=jnp.float32,
    )
    dist = (x2 + e2_ref[...]) - dot2
    mind = jnp.min(dist, axis=0, keepdims=True)
    eqf = (dist == mind).astype(jnp.bfloat16)
    s = lax.dot_general(
        wt_ref[...], eqf, (((1,), (0,)), ((), ())),
        preferred_element_type=jnp.float32,
    )
    counts = s[0:8, :]
    lsums = s[8:16, :]
    c8 = lax.broadcasted_iota(jnp.int32, (8, counts.shape[1]), 0).astype(
        jnp.float32
    )
    cstar = jnp.min(
        jnp.where(counts > 0.5, c8, jnp.float32(8.0)), axis=0, keepdims=True
    )
    hit = c8 == cstar
    cnt = jnp.sum(jnp.where(hit, counts, jnp.float32(0.0)), axis=0)
    lsum = jnp.sum(jnp.where(hit, lsums, jnp.float32(0.0)), axis=0)
    idx_f = cstar[0] * jnp.float32(128.0) + lsum / cnt
    idx_i = idx_f.astype(jnp.int32)
    idx_ref[0] = idx_i.reshape(_ROWS // _CHUNK, _CHUNK)
    idxb_ref[0] = idx_i.reshape(_ROWS // _N_CODES, _N_CODES)

    @pl.when(pl.program_id(0) == 0)
    def _init():
        loss_ref[0, 0] = 0.0

    loss_ref[0, 0] += jnp.sum(mind)

    @pl.when(pl.program_id(0) == pl.num_programs(0) - 1)
    def _fin():
        denom = jnp.float32(pl.num_programs(0) * _ROWS * _DIM)
        loss_ref[0, 0] = loss_ref[0, 0] / denom


def _tc_argmin(flat_x, embeddings):
    n_rows = flat_x.shape[0]
    grid = (n_rows // _ROWS,)
    e2x = (embeddings + embeddings).astype(jnp.bfloat16)
    e2col = jnp.sum(embeddings * embeddings, axis=1, keepdims=True)
    jl = lax.broadcasted_iota(jnp.int32, (16, _N_CODES), 1)
    cc = lax.broadcasted_iota(jnp.int32, (16, _N_CODES), 0)
    in_chunk = (jl // _CHUNK) == (cc % 8)
    wt = jnp.where(
        in_chunk,
        jnp.where(cc < 8, jnp.float32(1.0), (jl % _CHUNK).astype(jnp.float32)),
        jnp.float32(0.0),
    )
    return pl.pallas_call(
        _argmin_body,
        grid=grid,
        in_specs=[
            pl.BlockSpec((_ROWS, _DIM), lambda i: (i, 0)),
            pl.BlockSpec((_N_CODES, _DIM), lambda i: (0, 0)),
            pl.BlockSpec((_N_CODES, 1), lambda i: (0, 0)),
            pl.BlockSpec((16, _N_CODES), lambda i: (0, 0)),
        ],
        out_specs=[
            pl.BlockSpec((1, _ROWS // _CHUNK, _CHUNK), lambda i: (i, 0, 0)),
            pl.BlockSpec((1, _ROWS // _N_CODES, _N_CODES), lambda i: (i, 0, 0)),
            pl.BlockSpec(memory_space=pltpu.SMEM),
        ],
        out_shape=[
            jax.ShapeDtypeStruct(
                (n_rows // _ROWS, _ROWS // _CHUNK, _CHUNK), jnp.int32
            ),
            jax.ShapeDtypeStruct(
                (n_rows // _ROWS, _ROWS // _N_CODES, _N_CODES), jnp.int32
            ),
            jax.ShapeDtypeStruct((1, 1), jnp.float32),
        ],
    )(flat_x, e2x, e2col, wt)


def _sc_gather_body(table_hbm, idx_hbm, out_hbm, idx_v, rows_v, sem):
    n_chunks = idx_v.shape[0]
    bpw = n_chunks * _CHUNK
    wid = lax.axis_index("s") * _NC + lax.axis_index("c")
    pltpu.sync_copy(idx_hbm.at[pl.ds(wid * n_chunks, n_chunks)], idx_v)
    copies = [
        pltpu.async_copy(
            table_hbm.at[idx_v.at[j]],
            rows_v.at[pl.ds(j * _CHUNK, _CHUNK)],
            sem,
        )
        for j in range(n_chunks)
    ]
    for c in copies:
        c.wait()
    pltpu.sync_copy(rows_v, out_hbm.at[pl.ds(wid * bpw, bpw)])


def _sc_gather(embeddings, idx_2d):
    n_rows = idx_2d.shape[0] * idx_2d.shape[1]
    bpw = n_rows // _NW
    n_chunks = bpw // _CHUNK
    mesh = plsc.VectorSubcoreMesh(core_axis_name="c", subcore_axis_name="s")
    return pl.kernel(
        _sc_gather_body,
        out_type=jax.ShapeDtypeStruct((n_rows, _DIM), jnp.float32),
        mesh=mesh,
        scratch_types=[
            pltpu.VMEM((n_chunks, _CHUNK), jnp.int32),
            pltpu.VMEM((bpw, _DIM), jnp.float32),
            pltpu.SemaphoreType.DMA,
        ],
        compiler_params=pltpu.CompilerParams(use_tc_tiling_on_sc=False),
    )(embeddings, idx_2d)


def kernel(inputs, embeddings):
    orig_shape = inputs.shape
    flat = inputs.reshape(-1, _DIM)
    n_rows = flat.shape[0]
    idx3, idxb, loss_mean = _tc_argmin(flat, embeddings)
    idx_2d = idx3.reshape(-1, _CHUNK)
    quantized = _sc_gather(embeddings, idx_2d)
    return (
        quantized.reshape(orig_shape),
        loss_mean[0, 0],
        idxb.reshape(orig_shape[:-1]),
    )

# --- scband reference (transcript-rebuilt; emitter-appended) ---
"""Pipeline reference for scband-vector-quantizer-31696858644923 (READ-ONLY COPY).

The authoritative reference and input builder live on the scoring server;
editing this copy changes nothing except your own understanding.
"""

import jax, jax.numpy as jnp
import numpy as np

NUM_EMBEDDINGS = 1024
EMBEDDING_DIM = 64


def _l2_normalize(x, axis):
    norm = jnp.linalg.norm(x, axis=axis, keepdims=True)
    return x / jnp.maximum(norm, 1e-12)


def setup_inputs(seed: int = 0) -> dict:
    key = jax.random.key(seed)
    k1, k2 = jax.random.split(key)
    inputs = jax.random.normal(k1, (32, 1024, 64), dtype=jnp.float32)
    embeddings = jax.random.normal(k2, (NUM_EMBEDDINGS, EMBEDDING_DIM), dtype=jnp.float32)
    embeddings = _l2_normalize(embeddings, axis=1)  # normalized at init like the torch module
    return {"inputs": inputs, "embeddings": embeddings}


def reference(inputs, embeddings):
    # eval-mode forward (no EMA update, use_commitment=False)
    orig_shape = inputs.shape
    x = inputs
    if x.ndim == 2:
        x = x[None, :, :]
    if x.ndim > 3:
        x = x.reshape(-1, x.shape[-2], x.shape[-1])
    x = _l2_normalize(x, axis=-1)
    distances = (
        jnp.sum(x ** 2, axis=-1, keepdims=True)
        + jnp.sum(embeddings ** 2, axis=1)
        - 2.0 * jnp.matmul(x, embeddings.T)
    )
    encoding_indices = jnp.argmin(distances, axis=-1)
    encodings = jax.nn.one_hot(encoding_indices.reshape(-1), NUM_EMBEDDINGS, dtype=x.dtype)
    quantized = jnp.matmul(encodings, embeddings).reshape(x.shape)
    # use_commitment=False branch: loss = mse(quantized, inputs.detach())
    loss = jnp.mean((quantized - jax.lax.stop_gradient(x)) ** 2)
    # straight-through estimator
    quantized = x + jax.lax.stop_gradient(quantized - x)
    if len(orig_shape) != quantized.ndim:
        quantized = quantized.reshape(orig_shape)
        encoding_indices = encoding_indices.reshape(orig_shape[:-1])
    return (quantized, loss, encoding_indices)

if __name__ == "__main__":
    import jax
    _d = setup_inputs()
    print(jax.jit(kernel)(*tuple(_d.values())))

</pallas_src>

<mosaic_0001>
#map = affine_map<(d0, d1) -> (0, 0)>
module attributes {stable_mosaic.version = 14 : i64} {
  func.func @_sc_gather_body(%arg0: i32, %arg1: i32, %arg2: memref<1024x64xf32, #tpu.memory_space<hbm>>, %arg3: memref<256x128xi32, #tpu.memory_space<hbm>>, %arg4: memref<32768x64xf32, #tpu.memory_space<hbm>>, %arg5: memref<8x128xi32, #tpu.memory_space<vmem>>, %arg6: memref<1024x64xf32, #tpu.memory_space<vmem>>, %arg7: memref<!tpu.dma_semaphore, #tpu.memory_space<semaphore_mem>>) attributes {dimension_semantics = [#tpu.dimension_semantics<core_parallel>, #tpu.dimension_semantics<subcore_parallel>], iteration_bounds = array<i64: 2, 16>, scalar_prefetch = 0 : i64, scratch_operands = 3 : i64, tpu.core_type = #tpu.core_type<sc_vector_subcore>, window_params = [{transform_indices = #map}, {transform_indices = #map}, {transform_indices = #map}]} {
    %mul3A = arith.constant 2 : i32
    %mul3A_0 = arith.muli %arg1, %mul3A : i32
    %add3A = arith.addi %mul3A_0, %arg0 : i32
    %mul3A_1 = arith.constant 8 : i32
    %mul3A_2 = arith.muli %add3A, %mul3A_1 : i32
    "tpu.region"() ({
      %run_scoped3A = tpu.sem_alloc : memref<!tpu.dma_semaphore, #tpu.memory_space<semaphore_mem>>
      %dma_start3A_163 = arith.constant 0 : i32
      %dma_start3A_164 = tpu.memref_slice %arg3[%mul3A_2, %dma_start3A_163] : memref<256x128xi32, #tpu.memory_space<hbm>> -> memref<8x128xi32, #tpu.memory_space<hbm>>
      %dma_start3A_165 = arith.constant 0 : i32
      %dma_start3A_166 = tpu.memref_slice %arg3[%mul3A_2, %dma_start3A_165] : memref<256x128xi32, #tpu.memory_space<hbm>> -> memref<8x128xi32, #tpu.memory_space<hbm>>
      tpu.enqueue_dma source(%dma_start3A_166 : memref<8x128xi32, #tpu.memory_space<hbm>>) target(%arg5 : memref<8x128xi32, #tpu.memory_space<vmem>>) target_semaphore(%run_scoped3A : memref<!tpu.dma_semaphore, #tpu.memory_space<semaphore_mem>>)
      %dma_wait3A_167 = arith.constant 0 : i32
      %dma_wait3A_168 = tpu.memref_slice %arg3[%mul3A_2, %dma_wait3A_167] : memref<256x128xi32, #tpu.memory_space<hbm>> -> memref<8x128xi32, #tpu.memory_space<hbm>>
      %dma_wait3A_169 = arith.constant 0 : i32
      %dma_wait3A_170 = tpu.memref_slice %arg3[%mul3A_2, %dma_wait3A_169] : memref<256x128xi32, #tpu.memory_space<hbm>> -> memref<8x128xi32, #tpu.memory_space<hbm>>
      tpu.wait_dma2 semaphore(%run_scoped3A : memref<!tpu.dma_semaphore, #tpu.memory_space<semaphore_mem>>) src(%dma_wait3A_170 : memref<8x128xi32, #tpu.memory_space<hbm>>) dst(%arg5 : memref<8x128xi32, #tpu.memory_space<vmem>>)
      tpu.yield
    }) : () -> ()
    %dma_start3A = arith.constant 0 : i32
    %dma_start3A_3 = arith.constant 0 : i32
    %dma_start3A_4 = arith.constant 0 : i32
    %dma_start3A_5 = tpu.memref_slice %arg6[%dma_start3A_3, %dma_start3A_4] : memref<1024x64xf32, #tpu.memory_space<vmem>> -> memref<128x64xf32, #tpu.memory_space<vmem>>
    %dma_start3A_6 = arith.constant 0 : i32
    %dma_start3A_7 = tpu.memref_slice %arg5[%dma_start3A, %dma_start3A_6] : memref<8x128xi32, #tpu.memory_space<vmem>> -> memref<1x128xi32, #tpu.memory_space<vmem>>
    %dma_start3A_8 = tpu.memref_squeeze %dma_start3A_7 : memref<1x128xi32, #tpu.memory_space<vmem>> -> memref<128xi32, #tpu.memory_space<vmem>>
    %dma_start3A_9 = arith.constant 0 : i32
    %dma_start3A_10 = arith.constant 0 : i32
    %dma_start3A_11 = tpu.memref_slice %arg2[%dma_start3A_9, %dma_start3A_10] : memref<1024x64xf32, #tpu.memory_space<hbm>> -> memref<1024x64xf32, #tpu.memory_space<hbm>>
    tpu.enqueue_indirect_dma source(%dma_start3A_11 : memref<1024x64xf32, #tpu.memory_space<hbm>>) target(%dma_start3A_5 : memref<128x64xf32, #tpu.memory_space<vmem>>) offsets(%dma_start3A_8 : memref<128xi32, #tpu.memory_space<vmem>>) semaphore(%arg7 : memref<!tpu.dma_semaphore, #tpu.memory_space<semaphore_mem>>)
    %dma_start3A_12 = arith.constant 1 : i32
    %dma_start3A_13 = arith.constant 128 : i32
    %dma_start3A_14 = arith.constant 0 : i32
    %dma_start3A_15 = tpu.memref_slice %arg6[%dma_start3A_13, %dma_start3A_14] : memref<1024x64xf32, #tpu.memory_space<vmem>> -> memref<128x64xf32, #tpu.memory_space<vmem>>
    %dma_start3A_16 = arith.constant 0 : i32
    %dma_start3A_17 = tpu.memref_slice %arg5[%dma_start3A_12, %dma_start3A_16] : memref<8x128xi32, #tpu.memory_space<vmem>> -> memref<1x128xi32, #tpu.memory_space<vmem>>
    %dma_start3A_18 = tpu.memref_squeeze %dma_start3A_17 : memref<1x128xi32, #tpu.memory_space<vmem>> -> memref<128xi32, #tpu.memory_space<vmem>>
    %dma_start3A_19 = arith.constant 0 : i32
    %dma_start3A_20 = arith.constant 0 : i32
    %dma_start3A_21 = tpu.memref_slice %arg2[%dma_start3A_19, %dma_start3A_20] : memref<1024x64xf32, #tpu.memory_space<hbm>> -> memref<1024x64xf32, #tpu.memory_space<hbm>>
    tpu.enqueue_indirect_dma source(%dma_start3A_21 : memref<1024x64xf32, #tpu.memory_space<hbm>>) target(%dma_start3A_15 : memref<128x64xf32, #tpu.memory_space<vmem>>) offsets(%dma_start3A_18 : memref<128xi32, #tpu.memory_space<vmem>>) semaphore(%arg7 : memref<!tpu.dma_semaphore, #tpu.memory_space<semaphore_mem>>)
    %dma_start3A_22 = arith.constant 2 : i32
    %dma_start3A_23 = arith.constant 256 : i32
    %dma_start3A_24 = arith.constant 0 : i32
    %dma_start3A_25 = tpu.memref_slice %arg6[%dma_start3A_23, %dma_start3A_24] : memref<1024x64xf32, #tpu.memory_space<vmem>> -> memref<128x64xf32, #tpu.memory_space<vmem>>
    %dma_start3A_26 = arith.constant 0 : i32
    %dma_start3A_27 = tpu.memref_slice %arg5[%dma_start3A_22, %dma_start3A_26] : memref<8x128xi32, #tpu.memory_space<vmem>> -> memref<1x128xi32, #tpu.memory_space<vmem>>
    %dma_start3A_28 = tpu.memref_squeeze %dma_start3A_27 : memref<1x128xi32, #tpu.memory_space<vmem>> -> memref<128xi32, #tpu.memory_space<vmem>>
    %dma_start3A_29 = arith.constant 0 : i32
    %dma_start3A_30 = arith.constant 0 : i32
    %dma_start3A_31 = tpu.memref_slice %arg2[%dma_start3A_29, %dma_start3A_30] : memref<1024x64xf32, #tpu.memory_space<hbm>> -> memref<1024x64xf32, #tpu.memory_space<hbm>>
    tpu.enqueue_indirect_dma source(%dma_start3A_31 : memref<1024x64xf32, #tpu.memory_space<hbm>>) target(%dma_start3A_25 : memref<128x64xf32, #tpu.memory_space<vmem>>) offsets(%dma_start3A_28 : memref<128xi32, #tpu.memory_space<vmem>>) semaphore(%arg7 : memref<!tpu.dma_semaphore, #tpu.memory_space<semaphore_mem>>)
    %dma_start3A_32 = arith.constant 3 : i32
    %dma_start3A_33 = arith.constant 384 : i32
    %dma_start3A_34 = arith.constant 0 : i32
    %dma_start3A_35 = tpu.memref_slice %arg6[%dma_start3A_33, %dma_start3A_34] : memref<1024x64xf32, #tpu.memory_space<vmem>> -> memref<128x64xf32, #tpu.memory_space<vmem>>
    %dma_start3A_36 = arith.constant 0 : i32
    %dma_start3A_37 = tpu.memref_slice %arg5[%dma_start3A_32, %dma_start3A_36] : memref<8x128xi32, #tpu.memory_space<vmem>> -> memref<1x128xi32, #tpu.memory_space<vmem>>
    %dma_start3A_38 = tpu.memref_squeeze %dma_start3A_37 : memref<1x128xi32, #tpu.memory_space<vmem>> -> memref<128xi32, #tpu.memory_space<vmem>>
    %dma_start3A_39 = arith.constant 0 : i32
    %dma_start3A_40 = arith.constant 0 : i32
    %dma_start3A_41 = tpu.memref_slice %arg2[%dma_start3A_39, %dma_start3A_40] : memref<1024x64xf32, #tpu.memory_space<hbm>> -> memref<1024x64xf32, #tpu.memory_space<hbm>>
    tpu.enqueue_indirect_dma source(%dma_start3A_41 : memref<1024x64xf32, #tpu.memory_space<hbm>>) target(%dma_start3A_35 : memref<128x64xf32, #tpu.memory_space<vmem>>) offsets(%dma_start3A_38 : memref<128xi32, #tpu.memory_space<vmem>>) semaphore(%arg7 : memref<!tpu.dma_semaphore, #tpu.memory_space<semaphore_mem>>)
    %dma_start3A_42 = arith.constant 4 : i32
    %dma_start3A_43 = arith.constant 512 : i32
    %dma_start3A_44 = arith.constant 0 : i32
    %dma_start3A_45 = tpu.memref_slice %arg6[%dma_start3A_43, %dma_start3A_44] : memref<1024x64xf32, #tpu.memory_space<vmem>> -> memref<128x64xf32, #tpu.memory_space<vmem>>
    %dma_start3A_46 = arith.constant 0 : i32
    %dma_start3A_47 = tpu.memref_slice %arg5[%dma_start3A_42, %dma_start3A_46] : memref<8x128xi32, #tpu.memory_space<vmem>> -> memref<1x128xi32, #tpu.memory_space<vmem>>
    %dma_start3A_48 = tpu.memref_squeeze %dma_start3A_47 : memref<1x128xi32, #tpu.memory_space<vmem>> -> memref<128xi32, #tpu.memory_space<vmem>>
    %dma_start3A_49 = arith.constant 0 : i32
    %dma_start3A_50 = arith.constant 0 : i32
    %dma_start3A_51 = tpu.memref_slice %arg2[%dma_start3A_49, %dma_start3A_50] : memref<1024x64xf32, #tpu.memory_space<hbm>> -> memref<1024x64xf32, #tpu.memory_space<hbm>>
    tpu.enqueue_indirect_dma source(%dma_start3A_51 : memref<1024x64xf32, #tpu.memory_space<hbm>>) target(%dma_start3A_45 : memref<128x64xf32, #tpu.memory_space<vmem>>) offsets(%dma_start3A_48 : memref<128xi32, #tpu.memory_space<vmem>>) semaphore(%arg7 : memref<!tpu.dma_semaphore, #tpu.memory_space<semaphore_mem>>)
    %dma_start3A_52 = arith.constant 5 : i32
    %dma_start3A_53 = arith.constant 640 : i32
    %dma_start3A_54 = arith.constant 0 : i32
    %dma_start3A_55 = tpu.memref_slice %arg6[%dma_start3A_53, %dma_start3A_54] : memref<1024x64xf32, #tpu.memory_space<vmem>> -> memref<128x64xf32, #tpu.memory_space<vmem>>
    %dma_start3A_56 = arith.constant 0 : i32
    %dma_start3A_57 = tpu.memref_slice %arg5[%dma_start3A_52, %dma_start3A_56] : memref<8x128xi32, #tpu.memory_space<vmem>> -> memref<1x128xi32, #tpu.memory_space<vmem>>
    %dma_start3A_58 = tpu.memref_squeeze %dma_start3A_57 : memref<1x128xi32, #tpu.memory_space<vmem>> -> memref<128xi32, #tpu.memory_space<vmem>>
    %dma_start3A_59 = arith.constant 0 : i32
    %dma_start3A_60 = arith.constant 0 : i32
    %dma_start3A_61 = tpu.memref_slice %arg2[%dma_start3A_59, %dma_start3A_60] : memref<1024x64xf32, #tpu.memory_space<hbm>> -> memref<1024x64xf32, #tpu.memory_space<hbm>>
    tpu.enqueue_indirect_dma source(%dma_start3A_61 : memref<1024x64xf32, #tpu.memory_space<hbm>>) target(%dma_start3A_55 : memref<128x64xf32, #tpu.memory_space<vmem>>) offsets(%dma_start3A_58 : memref<128xi32, #tpu.memory_space<vmem>>) semaphore(%arg7 : memref<!tpu.dma_semaphore, #tpu.memory_space<semaphore_mem>>)
    %dma_start3A_62 = arith.constant 6 : i32
    %dma_start3A_63 = arith.constant 768 : i32
    %dma_start3A_64 = arith.constant 0 : i32
    %dma_start3A_65 = tpu.memref_slice %arg6[%dma_start3A_63, %dma_start3A_64] : memref<1024x64xf32, #tpu.memory_space<vmem>> -> memref<128x64xf32, #tpu.memory_space<vmem>>
    %dma_start3A_66 = arith.constant 0 : i32
    %dma_start3A_67 = tpu.memref_slice %arg5[%dma_start3A_62, %dma_start3A_66] : memref<8x128xi32, #tpu.memory_space<vmem>> -> memref<1x128xi32, #tpu.memory_space<vmem>>
    %dma_start3A_68 = tpu.memref_squeeze %dma_start3A_67 : memref<1x128xi32, #tpu.memory_space<vmem>> -> memref<128xi32, #tpu.memory_space<vmem>>
    %dma_start3A_69 = arith.constant 0 : i32
    %dma_start3A_70 = arith.constant 0 : i32
    %dma_start3A_71 = tpu.memref_slice %arg2[%dma_start3A_69, %dma_start3A_70] : memref<1024x64xf32, #tpu.memory_space<hbm>> -> memref<1024x64xf32, #tpu.memory_space<hbm>>
    tpu.enqueue_indirect_dma source(%dma_start3A_71 : memref<1024x64xf32, #tpu.memory_space<hbm>>) target(%dma_start3A_65 : memref<128x64xf32, #tpu.memory_space<vmem>>) offsets(%dma_start3A_68 : memref<128xi32, #tpu.memory_space<vmem>>) semaphore(%arg7 : memref<!tpu.dma_semaphore, #tpu.memory_space<semaphore_mem>>)
    %dma_start3A_72 = arith.constant 7 : i32
    %dma_start3A_73 = arith.constant 896 : i32
    %dma_start3A_74 = arith.constant 0 : i32
    %dma_start3A_75 = tpu.memref_slice %arg6[%dma_start3A_73, %dma_start3A_74] : memref<1024x64xf32, #tpu.memory_space<vmem>> -> memref<128x64xf32, #tpu.memory_space<vmem>>
    %dma_start3A_76 = arith.constant 0 : i32
    %dma_start3A_77 = tpu.memref_slice %arg5[%dma_start3A_72, %dma_start3A_76] : memref<8x128xi32, #tpu.memory_space<vmem>> -> memref<1x128xi32, #tpu.memory_space<vmem>>
    %dma_start3A_78 = tpu.memref_squeeze %dma_start3A_77 : memref<1x128xi32, #tpu.memory_space<vmem>> -> memref<128xi32, #tpu.memory_space<vmem>>
    %dma_start3A_79 = arith.constant 0 : i32
    %dma_start3A_80 = arith.constant 0 : i32
    %dma_start3A_81 = tpu.memref_slice %arg2[%dma_start3A_79, %dma_start3A_80] : memref<1024x64xf32, #tpu.memory_space<hbm>> -> memref<1024x64xf32, #tpu.memory_space<hbm>>
    tpu.enqueue_indirect_dma source(%dma_start3A_81 : memref<1024x64xf32, #tpu.memory_space<hbm>>) target(%dma_start3A_75 : memref<128x64xf32, #tpu.memory_space<vmem>>) offsets(%dma_start3A_78 : memref<128xi32, #tpu.memory_space<vmem>>) semaphore(%arg7 : memref<!tpu.dma_semaphore, #tpu.memory_space<semaphore_mem>>)
    %dma_wait3A = arith.constant 0 : i32
    %dma_wait3A_82 = arith.constant 0 : i32
    %dma_wait3A_83 = arith.constant 0 : i32
    %dma_wait3A_84 = tpu.memref_slice %arg6[%dma_wait3A_82, %dma_wait3A_83] : memref<1024x64xf32, #tpu.memory_space<vmem>> -> memref<128x64xf32, #tpu.memory_space<vmem>>
    %dma_wait3A_85 = arith.constant 0 : i32
    %dma_wait3A_86 = tpu.memref_slice %arg5[%dma_wait3A, %dma_wait3A_85] : memref<8x128xi32, #tpu.memory_space<vmem>> -> memref<1x128xi32, #tpu.memory_space<vmem>>
    %dma_wait3A_87 = tpu.memref_squeeze %dma_wait3A_86 : memref<1x128xi32, #tpu.memory_space<vmem>> -> memref<128xi32, #tpu.memory_space<vmem>>
    %dma_wait3A_88 = arith.constant 0 : i32
    %dma_wait3A_89 = arith.constant 0 : i32
    %dma_wait3A_90 = tpu.memref_slice %arg2[%dma_wait3A_88, %dma_wait3A_89] : memref<1024x64xf32, #tpu.memory_space<hbm>> -> memref<1024x64xf32, #tpu.memory_space<hbm>>
    tpu.wait_indirect_dma semaphore(%arg7 : memref<!tpu.dma_semaphore, #tpu.memory_space<semaphore_mem>>) src(%dma_wait3A_90 : memref<1024x64xf32, #tpu.memory_space<hbm>>) dst(%dma_wait3A_84 : memref<128x64xf32, #tpu.memory_space<vmem>>)
    %dma_wait3A_91 = arith.constant 1 : i32
    %dma_wait3A_92 = arith.constant 128 : i32
    %dma_wait3A_93 = arith.constant 0 : i32
    %dma_wait3A_94 = tpu.memref_slice %arg6[%dma_wait3A_92, %dma_wait3A_93] : memref<1024x64xf32, #tpu.memory_space<vmem>> -> memref<128x64xf32, #tpu.memory_space<vmem>>
    %dma_wait3A_95 = arith.constant 0 : i32
    %dma_wait3A_96 = tpu.memref_slice %arg5[%dma_wait3A_91, %dma_wait3A_95] : memref<8x128xi32, #tpu.memory_space<vmem>> -> memref<1x128xi32, #tpu.memory_space<vmem>>
    %dma_wait3A_97 = tpu.memref_squeeze %dma_wait3A_96 : memref<1x128xi32, #tpu.memory_space<vmem>> -> memref<128xi32, #tpu.memory_space<vmem>>
    %dma_wait3A_98 = arith.constant 0 : i32
    %dma_wait3A_99 = arith.constant 0 : i32
    %dma_wait3A_100 = tpu.memref_slice %arg2[%dma_wait3A_98, %dma_wait3A_99] : memref<1024x64xf32, #tpu.memory_space<hbm>> -> memref<1024x64xf32, #tpu.memory_space<hbm>>
    tpu.wait_indirect_dma semaphore(%arg7 : memref<!tpu.dma_semaphore, #tpu.memory_space<semaphore_mem>>) src(%dma_wait3A_100 : memref<1024x64xf32, #tpu.memory_space<hbm>>) dst(%dma_wait3A_94 : memref<128x64xf32, #tpu.memory_space<vmem>>)
    %dma_wait3A_101 = arith.constant 2 : i32
    %dma_wait3A_102 = arith.constant 256 : i32
    %dma_wait3A_103 = arith.constant 0 : i32
    %dma_wait3A_104 = tpu.memref_slice %arg6[%dma_wait3A_102, %dma_wait3A_103] : memref<1024x64xf32, #tpu.memory_space<vmem>> -> memref<128x64xf32, #tpu.memory_space<vmem>>
    %dma_wait3A_105 = arith.constant 0 : i32
    %dma_wait3A_106 = tpu.memref_slice %arg5[%dma_wait3A_101, %dma_wait3A_105] : memref<8x128xi32, #tpu.memory_space<vmem>> -> memref<1x128xi32, #tpu.memory_space<vmem>>
    %dma_wait3A_107 = tpu.memref_squeeze %dma_wait3A_106 : memref<1x128xi32, #tpu.memory_space<vmem>> -> memref<128xi32, #tpu.memory_space<vmem>>
    %dma_wait3A_108 = arith.constant 0 : i32
    %dma_wait3A_109 = arith.constant 0 : i32
    %dma_wait3A_110 = tpu.memref_slice %arg2[%dma_wait3A_108, %dma_wait3A_109] : memref<1024x64xf32, #tpu.memory_space<hbm>> -> memref<1024x64xf32, #tpu.memory_space<hbm>>
    tpu.wait_indirect_dma semaphore(%arg7 : memref<!tpu.dma_semaphore, #tpu.memory_space<semaphore_mem>>) src(%dma_wait3A_110 : memref<1024x64xf32, #tpu.memory_space<hbm>>) dst(%dma_wait3A_104 : memref<128x64xf32, #tpu.memory_space<vmem>>)
    %dma_wait3A_111 = arith.constant 3 : i32
    %dma_wait3A_112 = arith.constant 384 : i32
    %dma_wait3A_113 = arith.constant 0 : i32
    %dma_wait3A_114 = tpu.memref_slice %arg6[%dma_wait3A_112, %dma_wait3A_113] : memref<1024x64xf32, #tpu.memory_space<vmem>> -> memref<128x64xf32, #tpu.memory_space<vmem>>
    %dma_wait3A_115 = arith.constant 0 : i32
    %dma_wait3A_116 = tpu.memref_slice %arg5[%dma_wait3A_111, %dma_wait3A_115] : memref<8x128xi32, #tpu.memory_space<vmem>> -> memref<1x128xi32, #tpu.memory_space<vmem>>
    %dma_wait3A_117 = tpu.memref_squeeze %dma_wait3A_116 : memref<1x128xi32, #tpu.memory_space<vmem>> -> memref<128xi32, #tpu.memory_space<vmem>>
    %dma_wait3A_118 = arith.constant 0 : i32
    %dma_wait3A_119 = arith.constant 0 : i32
    %dma_wait3A_120 = tpu.memref_slice %arg2[%dma_wait3A_118, %dma_wait3A_119] : memref<1024x64xf32, #tpu.memory_space<hbm>> -> memref<1024x64xf32, #tpu.memory_space<hbm>>
    tpu.wait_indirect_dma semaphore(%arg7 : memref<!tpu.dma_semaphore, #tpu.memory_space<semaphore_mem>>) src(%dma_wait3A_120 : memref<1024x64xf32, #tpu.memory_space<hbm>>) dst(%dma_wait3A_114 : memref<128x64xf32, #tpu.memory_space<vmem>>)
    %dma_wait3A_121 = arith.constant 4 : i32
    %dma_wait3A_122 = arith.constant 512 : i32
    %dma_wait3A_123 = arith.constant 0 : i32
    %dma_wait3A_124 = tpu.memref_slice %arg6[%dma_wait3A_122, %dma_wait3A_123] : memref<1024x64xf32, #tpu.memory_space<vmem>> -> memref<128x64xf32, #tpu.memory_space<vmem>>
    %dma_wait3A_125 = arith.constant 0 : i32
    %dma_wait3A_126 = tpu.memref_slice %arg5[%dma_wait3A_121, %dma_wait3A_125] : memref<8x128xi32, #tpu.memory_space<vmem>> -> memref<1x128xi32, #tpu.memory_space<vmem>>
    %dma_wait3A_127 = tpu.memref_squeeze %dma_wait3A_126 : memref<1x128xi32, #tpu.memory_space<vmem>> -> memref<128xi32, #tpu.memory_space<vmem>>
    %dma_wait3A_128 = arith.constant 0 : i32
    %dma_wait3A_129 = arith.constant 0 : i32
    %dma_wait3A_130 = tpu.memref_slice %arg2[%dma_wait3A_128, %dma_wait3A_129] : memref<1024x64xf32, #tpu.memory_space<hbm>> -> memref<1024x64xf32, #tpu.memory_space<hbm>>
    tpu.wait_indirect_dma semaphore(%arg7 : memref<!tpu.dma_semaphore, #tpu.memory_space<semaphore_mem>>) src(%dma_wait3A_130 : memref<1024x64xf32, #tpu.memory_space<hbm>>) dst(%dma_wait3A_124 : memref<128x64xf32, #tpu.memory_space<vmem>>)
    %dma_wait3A_131 = arith.constant 5 : i32
    %dma_wait3A_132 = arith.constant 640 : i32
    %dma_wait3A_133 = arith.constant 0 : i32
    %dma_wait3A_134 = tpu.memref_slice %arg6[%dma_wait3A_132, %dma_wait3A_133] : memref<1024x64xf32, #tpu.memory_space<vmem>> -> memref<128x64xf32, #tpu.memory_space<vmem>>
    %dma_wait3A_135 = arith.constant 0 : i32
    %dma_wait3A_136 = tpu.memref_slice %arg5[%dma_wait3A_131, %dma_wait3A_135] : memref<8x128xi32, #tpu.memory_space<vmem>> -> memref<1x128xi32, #tpu.memory_space<vmem>>
    %dma_wait3A_137 = tpu.memref_squeeze %dma_wait3A_136 : memref<1x128xi32, #tpu.memory_space<vmem>> -> memref<128xi32, #tpu.memory_space<vmem>>
    %dma_wait3A_138 = arith.constant 0 : i32
    %dma_wait3A_139 = arith.constant 0 : i32
    %dma_wait3A_140 = tpu.memref_slice %arg2[%dma_wait3A_138, %dma_wait3A_139] : memref<1024x64xf32, #tpu.memory_space<hbm>> -> memref<1024x64xf32, #tpu.memory_space<hbm>>
    tpu.wait_indirect_dma semaphore(%arg7 : memref<!tpu.dma_semaphore, #tpu.memory_space<semaphore_mem>>) src(%dma_wait3A_140 : memref<1024x64xf32, #tpu.memory_space<hbm>>) dst(%dma_wait3A_134 : memref<128x64xf32, #tpu.memory_space<vmem>>)
    %dma_wait3A_141 = arith.constant 6 : i32
    %dma_wait3A_142 = arith.constant 768 : i32
    %dma_wait3A_143 = arith.constant 0 : i32
    %dma_wait3A_144 = tpu.memref_slice %arg6[%dma_wait3A_142, %dma_wait3A_143] : memref<1024x64xf32, #tpu.memory_space<vmem>> -> memref<128x64xf32, #tpu.memory_space<vmem>>
    %dma_wait3A_145 = arith.constant 0 : i32
    %dma_wait3A_146 = tpu.memref_slice %arg5[%dma_wait3A_141, %dma_wait3A_145] : memref<8x128xi32, #tpu.memory_space<vmem>> -> memref<1x128xi32, #tpu.memory_space<vmem>>
    %dma_wait3A_147 = tpu.memref_squeeze %dma_wait3A_146 : memref<1x128xi32, #tpu.memory_space<vmem>> -> memref<128xi32, #tpu.memory_space<vmem>>
    %dma_wait3A_148 = arith.constant 0 : i32
    %dma_wait3A_149 = arith.constant 0 : i32
    %dma_wait3A_150 = tpu.memref_slice %arg2[%dma_wait3A_148, %dma_wait3A_149] : memref<1024x64xf32, #tpu.memory_space<hbm>> -> memref<1024x64xf32, #tpu.memory_space<hbm>>
    tpu.wait_indirect_dma semaphore(%arg7 : memref<!tpu.dma_semaphore, #tpu.memory_space<semaphore_mem>>) src(%dma_wait3A_150 : memref<1024x64xf32, #tpu.memory_space<hbm>>) dst(%dma_wait3A_144 : memref<128x64xf32, #tpu.memory_space<vmem>>)
    %dma_wait3A_151 = arith.constant 7 : i32
    %dma_wait3A_152 = arith.constant 896 : i32
    %dma_wait3A_153 = arith.constant 0 : i32
    %dma_wait3A_154 = tpu.memref_slice %arg6[%dma_wait3A_152, %dma_wait3A_153] : memref<1024x64xf32, #tpu.memory_space<vmem>> -> memref<128x64xf32, #tpu.memory_space<vmem>>
    %dma_wait3A_155 = arith.constant 0 : i32
    %dma_wait3A_156 = tpu.memref_slice %arg5[%dma_wait3A_151, %dma_wait3A_155] : memref<8x128xi32, #tpu.memory_space<vmem>> -> memref<1x128xi32, #tpu.memory_space<vmem>>
    %dma_wait3A_157 = tpu.memref_squeeze %dma_wait3A_156 : memref<1x128xi32, #tpu.memory_space<vmem>> -> memref<128xi32, #tpu.memory_space<vmem>>
    %dma_wait3A_158 = arith.constant 0 : i32
    %dma_wait3A_159 = arith.constant 0 : i32
    %dma_wait3A_160 = tpu.memref_slice %arg2[%dma_wait3A_158, %dma_wait3A_159] : memref<1024x64xf32, #tpu.memory_space<hbm>> -> memref<1024x64xf32, #tpu.memory_space<hbm>>
    tpu.wait_indirect_dma semaphore(%arg7 : memref<!tpu.dma_semaphore, #tpu.memory_space<semaphore_mem>>) src(%dma_wait3A_160 : memref<1024x64xf32, #tpu.memory_space<hbm>>) dst(%dma_wait3A_154 : memref<128x64xf32, #tpu.memory_space<vmem>>)
    %mul3A_161 = arith.constant 1024 : i32
    %mul3A_162 = arith.muli %add3A, %mul3A_161 : i32
    "tpu.region"() ({
      %run_scoped3A = tpu.sem_alloc : memref<!tpu.dma_semaphore, #tpu.memory_space<semaphore_mem>>
      %dma_start3A_163 = arith.constant 0 : i32
      %dma_start3A_164 = tpu.memref_slice %arg4[%mul3A_162, %dma_start3A_163] : memref<32768x64xf32, #tpu.memory_space<hbm>> -> memref<1024x64xf32, #tpu.memory_space<hbm>>
      %dma_start3A_165 = arith.constant 0 : i32
      %dma_start3A_166 = tpu.memref_slice %arg4[%mul3A_162, %dma_start3A_165] : memref<32768x64xf32, #tpu.memory_space<hbm>> -> memref<1024x64xf32, #tpu.memory_space<hbm>>
      tpu.enqueue_dma source(%arg6 : memref<1024x64xf32, #tpu.memory_space<vmem>>) target(%dma_start3A_166 : memref<1024x64xf32, #tpu.memory_space<hbm>>) target_semaphore(%run_scoped3A : memref<!tpu.dma_semaphore, #tpu.memory_space<semaphore_mem>>)
      %dma_wait3A_167 = arith.constant 0 : i32
      %dma_wait3A_168 = tpu.memref_slice %arg4[%mul3A_162, %dma_wait3A_167] : memref<32768x64xf32, #tpu.memory_space<hbm>> -> memref<1024x64xf32, #tpu.memory_space<hbm>>
      %dma_wait3A_169 = arith.constant 0 : i32
      %dma_wait3A_170 = tpu.memref_slice %arg4[%mul3A_162, %dma_wait3A_169] : memref<32768x64xf32, #tpu.memory_space<hbm>> -> memref<1024x64xf32, #tpu.memory_space<hbm>>
      tpu.wait_dma2 semaphore(%run_scoped3A : memref<!tpu.dma_semaphore, #tpu.memory_space<semaphore_mem>>) src(%arg6 : memref<1024x64xf32, #tpu.memory_space<vmem>>) dst(%dma_wait3A_170 : memref<1024x64xf32, #tpu.memory_space<hbm>>)
      tpu.yield
    }) : () -> ()
    return
  }
}

module attributes {stable_mosaic.version = 14 : i64} {
  func.func @_argmin_body(%arg0: i32, %arg1: memref<2048x64xf32, #tpu.memory_space<vmem>>, %arg2: memref<1024x64xbf16, #tpu.memory_space<vmem>>, %arg3: memref<1024x1xf32, #tpu.memory_space<vmem>>, %arg4: memref<16x1024xf32, #tpu.memory_space<vmem>>, %arg5: memref<1x16x128xi32, #tpu.memory_space<vmem>>, %arg6: memref<1x2x1024xi32, #tpu.memory_space<vmem>>, %arg7: memref<1x1xf32, #tpu.memory_space<smem>>) attributes {dimension_semantics = [#tpu.dimension_semantics<arbitrary>], iteration_bounds = array<i64: 16>, scalar_prefetch = 0 : i64, scratch_operands = 0 : i64, tpu.core_type = #tpu.core_type<tc>, window_params = [{transform_indices = @transform_0, window_bounds = array<i64: 2048, 64>}, {pipeline_mode = #tpu.pipeline_mode<synchronous>, transform_indices = @transform_1, window_bounds = array<i64: 1024, 64>}, {pipeline_mode = #tpu.pipeline_mode<synchronous>, transform_indices = @transform_2, window_bounds = array<i64: 1024, 1>}, {pipeline_mode = #tpu.pipeline_mode<synchronous>, transform_indices = @transform_3, window_bounds = array<i64: 16, 1024>}, {transform_indices = @transform_4, window_bounds = array<i64: 1, 16, 128>}, {transform_indices = @transform_5, window_bounds = array<i64: 1, 2, 1024>}, {transform_indices = @transform_6, window_bounds = array<i64: 1, 1>}]} {
    %get3A = arith.constant 0 : index
    %get3A_0 = arith.constant 0 : index
    %get3A_1 = vector.load %arg1[%get3A, %get3A_0] : memref<2048x64xf32, #tpu.memory_space<vmem>>, vector<2048x64xf32>
    %transpose3A = tpu.transpose %get3A_1, [1, 0] : vector<2048x64xf32> -> vector<64x2048xf32>
    %mul3A = arith.mulf %transpose3A, %transpose3A : vector<64x2048xf32>
    %reduce_sum3A = arith.constant dense<0.000000e+00> : vector<2048xf32>
    %reduce_sum3A_2 = vector.multi_reduction <add>, %mul3A, %reduce_sum3A [0] : vector<64x2048xf32> to vector<2048xf32>
    %broadcast_in_dim3A = vector.shape_cast %reduce_sum3A_2 : vector<2048xf32> to vector<1x2048xf32>
    %sqrt3A = math.sqrt %broadcast_in_dim3A : vector<1x2048xf32>
    %max3A = arith.constant 9.99999996E-13 : f32
    %max3A_3 = vector.broadcast %max3A : f32 to vector<1x2048xf32>
    %max3A_4 = arith.maximumf %sqrt3A, %max3A_3 : vector<1x2048xf32>
    %div3A = vector.broadcast %max3A_4 : vector<1x2048xf32> to vector<64x2048xf32>
    %div3A_5 = arith.divf %transpose3A, %div3A : vector<64x2048xf32>
    %mul3A_6 = arith.mulf %div3A_5, %div3A_5 : vector<64x2048xf32>
    %reduce_sum3A_7 = arith.constant dense<0.000000e+00> : vector<2048xf32>
    %reduce_sum3A_8 = vector.multi_reduction <add>, %mul3A_6, %reduce_sum3A_7 [0] : vector<64x2048xf32> to vector<2048xf32>
    %broadcast_in_dim3A_9 = vector.shape_cast %reduce_sum3A_8 : vector<2048xf32> to vector<1x2048xf32>
    %get3A_10 = arith.constant 0 : index
    %get3A_11 = arith.constant 0 : index
    %get3A_12 = vector.load %arg2[%get3A_10, %get3A_11] : memref<1024x64xbf16, #tpu.memory_space<vmem>>, vector<1024x64xbf16>
    %dot_general3A = arith.constant dense<0.000000e+00> : vector<1024x2048xf32>
    %dot_general3A_13 = tpu.matmul %get3A_12, %div3A_5, %dot_general3A {dimension_numbers = #tpu.dot_dimension_numbers<[1], [0], [0], [1], [0, 0, 1, 1], [], []>, transpose_lhs_hint = false} : vector<1024x64xbf16>, vector<64x2048xf32>, vector<1024x2048xf32> -> vector<1024x2048xf32>
    %get3A_14 = arith.constant 0 : index
    %get3A_15 = arith.constant 0 : index
    %get3A_16 = vector.load %arg3[%get3A_14, %get3A_15] : memref<1024x1xf32, #tpu.memory_space<vmem>>, vector<1024x1xf32>
    %add3A = vector.broadcast %broadcast_in_dim3A_9 : vector<1x2048xf32> to vector<1024x2048xf32>
    %add3A_17 = vector.broadcast %get3A_16 : vector<1024x1xf32> to vector<1024x2048xf32>
    %add3A_18 = arith.addf %add3A, %add3A_17 : vector<1024x2048xf32>
    %sub3A = arith.subf %add3A_18, %dot_general3A_13 : vector<1024x2048xf32>
    %reduce_min3A = arith.constant dense<0x7F800000> : vector<2048xf32>
    %reduce_min3A_19 = vector.multi_reduction <minimumf>, %sub3A, %reduce_min3A [0] : vector<1024x2048xf32> to vector<2048xf32>
    %broadcast_in_dim3A_20 = vector.shape_cast %reduce_min3A_19 : vector<2048xf32> to vector<1x2048xf32>
    %eq3A = vector.broadcast %broadcast_in_dim3A_20 : vector<1x2048xf32> to vector<1024x2048xf32>
    %eq3A_21 = arith.cmpf oeq, %sub3A, %eq3A : vector<1024x2048xf32>
    %convert_element_type3A = arith.extui %eq3A_21 : vector<1024x2048xi1> to vector<1024x2048xi32>
    %convert_element_type3A_22 = arith.sitofp %convert_element_type3A : vector<1024x2048xi32> to vector<1024x2048xf32>
    %convert_element_type3A_23 = arith.truncf %convert_element_type3A_22 : vector<1024x2048xf32> to vector<1024x2048xbf16>
    %get3A_24 = arith.constant 0 : index
    %get3A_25 = arith.constant 0 : index
    %get3A_26 = vector.load %arg4[%get3A_24, %get3A_25] : memref<16x1024xf32, #tpu.memory_space<vmem>>, vector<16x1024xf32>
    %dot_general3A_27 = arith.constant dense<0.000000e+00> : vector<16x2048xf32>
    %dot_general3A_28 = tpu.matmul %get3A_26, %convert_element_type3A_23, %dot_general3A_27 {dimension_numbers = #tpu.dot_dimension_numbers<[1], [0], [0], [1], [0, 0, 1, 1], [], []>, transpose_lhs_hint = false} : vector<16x1024xf32>, vector<1024x2048xbf16>, vector<16x2048xf32> -> vector<16x2048xf32>
    %slice3A = vector.extract_strided_slice %dot_general3A_28 {offsets = [0, 0], sizes = [8, 2048], strides = [1, 1]} : vector<16x2048xf32> to vector<8x2048xf32>
    %slice3A_29 = vector.extract_strided_slice %dot_general3A_28 {offsets = [8, 0], sizes = [8, 2048], strides = [1, 1]} : vector<16x2048xf32> to vector<8x2048xf32>
    %iota3A = tpu.iota {dimensions = array<i32: 0>} : vector<8x2048xi32>
    %convert_element_type3A_30 = arith.sitofp %iota3A : vector<8x2048xi32> to vector<8x2048xf32>
    %gt3A = arith.constant 5.000000e-01 : f32
    %gt3A_31 = vector.broadcast %gt3A : f32 to vector<8x2048xf32>
    %gt3A_32 = arith.cmpf ogt, %slice3A, %gt3A_31 : vector<8x2048xf32>
    %jit3A = arith.constant 8.000000e+00 : f32
    %broadcast_in_dim3A_33 = vector.broadcast %jit3A : f32 to vector<8x2048xf32>
    %select_n3A = arith.select %gt3A_32, %convert_element_type3A_30, %broadcast_in_dim3A_33 : vector<8x2048xi1>, vector<8x2048xf32>
    %reduce_min3A_34 = arith.constant dense<0x7F800000> : vector<2048xf32>
    %reduce_min3A_35 = vector.multi_reduction <minimumf>, %select_n3A, %reduce_min3A_34 [0] : vector<8x2048xf32> to vector<2048xf32>
    %broadcast_in_dim3A_36 = vector.shape_cast %reduce_min3A_35 : vector<2048xf32> to vector<1x2048xf32>
    %eq3A_37 = vector.broadcast %broadcast_in_dim3A_36 : vector<1x2048xf32> to vector<8x2048xf32>
    %eq3A_38 = arith.cmpf oeq, %convert_element_type3A_30, %eq3A_37 : vector<8x2048xf32>
    %jit3A_39 = arith.constant 0.000000e+00 : f32
    %broadcast_in_dim3A_40 = vector.broadcast %jit3A_39 : f32 to vector<8x2048xf32>
    %select_n3A_41 = arith.select %eq3A_38, %slice3A, %broadcast_in_dim3A_40 : vector<8x2048xi1>, vector<8x2048xf32>
    %reduce_sum3A_42 = arith.constant dense<0.000000e+00> : vector<2048xf32>
    %reduce_sum3A_43 = vector.multi_reduction <add>, %select_n3A_41, %reduce_sum3A_42 [0] : vector<8x2048xf32> to vector<2048xf32>
    %jit3A_44 = arith.constant 0.000000e+00 : f32
    %broadcast_in_dim3A_45 = vector.broadcast %jit3A_44 : f32 to vector<8x2048xf32>
    %select_n3A_46 = arith.select %eq3A_38, %slice3A_29, %broadcast_in_dim3A_45 : vector<8x2048xi1>, vector<8x2048xf32>
    %reduce_sum3A_47 = arith.constant dense<0.000000e+00> : vector<2048xf32>
    %reduce_sum3A_48 = vector.multi_reduction <add>, %select_n3A_46, %reduce_sum3A_47 [0] : vector<8x2048xf32> to vector<2048xf32>
    %squeeze3A = vector.shape_cast %broadcast_in_dim3A_36 : vector<1x2048xf32> to vector<2048xf32>
    %mul3A_49 = arith.constant 1.280000e+02 : f32
    %mul3A_50 = vector.broadcast %mul3A_49 : f32 to vector<2048xf32>
    %mul3A_51 = arith.mulf %squeeze3A, %mul3A_50 : vector<2048xf32>
    %div3A_52 = arith.divf %reduce_sum3A_48, %reduce_sum3A_43 : vector<2048xf32>
    %add3A_53 = arith.addf %mul3A_51, %div3A_52 : vector<2048xf32>
    %convert_element_type3A_54 = arith.fptosi %add3A_53 : vector<2048xf32> to vector<2048xi32>
    %reshape3A = vector.shape_cast %convert_element_type3A_54 : vector<2048xi32> to vector<16x128xi32>
    %swap3A = arith.constant 0 : index
    %swap3A_55 = arith.constant 0 : index
    %swap3A_56 = arith.constant 0 : index
    %swap3A_57 = vector.load %arg5[%swap3A, %swap3A_55, %swap3A_56] : memref<1x16x128xi32, #tpu.memory_space<vmem>>, vector<1x16x128xi32>
    %swap3A_58 = vector.shape_cast %swap3A_57 : vector<1x16x128xi32> to vector<16x128xi32>
    %swap3A_59 = vector.shape_cast %reshape3A : vector<16x128xi32> to vector<1x16x128xi32>
    tpu.vector_store %arg5[%swap3A, %swap3A_55, %swap3A_56], %swap3A_59 {strides = array<i32>} : memref<1x16x128xi32, #tpu.memory_space<vmem>>, vector<1x16x128xi32>,
    %reshape3A_60 = vector.shape_cast %convert_element_type3A_54 : vector<2048xi32> to vector<2x1024xi32>
    %swap3A_61 = arith.constant 0 : index
    %swap3A_62 = arith.constant 0 : index
    %swap3A_63 = arith.constant 0 : index
    %swap3A_64 = vector.load %arg6[%swap3A_61, %swap3A_62, %swap3A_63] : memref<1x2x1024xi32, #tpu.memory_space<vmem>>, vector<1x2x1024xi32>
    %swap3A_65 = vector.shape_cast %swap3A_64 : vector<1x2x1024xi32> to vector<2x1024xi32>
    %swap3A_66 = vector.shape_cast %reshape3A_60 : vector<2x1024xi32> to vector<1x2x1024xi32>
    tpu.vector_store %arg6[%swap3A_61, %swap3A_62, %swap3A_63], %swap3A_66 {strides = array<i32>} : memref<1x2x1024xi32, #tpu.memory_space<vmem>>, vector<1x2x1024xi32>,
    %eq3A_67 = arith.constant 0 : i32
    %eq3A_68 = arith.cmpi eq, %arg0, %eq3A_67 : i32
    %convert_element_type3A_69 = arith.extui %eq3A_68 : i1 to i32
    %cond3A = arith.constant 0 : i32
    %cond3A_70 = arith.cmpi ne, %convert_element_type3A_69, %cond3A : i32
    scf.if %cond3A_70 {
      %swap3A_88 = arith.constant 0.000000e+00 : f32
      %swap3A_89 = arith.constant 0 : index
      %swap3A_90 = arith.constant 0 : index
      %swap3A_91 = memref.load %arg7[%swap3A_89, %swap3A_90] : memref<1x1xf32, #tpu.memory_space<smem>>
      memref.store %swap3A_88, %arg7[%swap3A_89, %swap3A_90] : memref<1x1xf32, #tpu.memory_space<smem>>
    } else {
    }
    %get3A_71 = arith.constant 0 : index
    %get3A_72 = arith.constant 0 : index
    %get3A_73 = memref.load %arg7[%get3A_71, %get3A_72] : memref<1x1xf32, #tpu.memory_space<smem>>
    %reduce_sum3A_74 = vector.shape_cast %broadcast_in_dim3A_20 : vector<1x2048xf32> to vector<1x1x2048xf32>
    %reduce_sum3A_75 = arith.constant dense<0.000000e+00> : vector<1xf32>
    %reduce_sum3A_76 = vector.multi_reduction <add>, %reduce_sum3A_74, %reduce_sum3A_75 [1, 2] : vector<1x1x2048xf32> to vector<1xf32>
    %reduce_sum3A_77 = vector.shape_cast %reduce_sum3A_76 : vector<1xf32> to vector<1x1x1xf32>
    %reduce_sum3A_78 = vector.extract %reduce_sum3A_77[0, 0, 0] : f32 from vector<1x1x1xf32>
    %add3A_79 = arith.addf %get3A_73, %reduce_sum3A_78 : f32
    %swap3A_80 = arith.constant 0 : index
    %swap3A_81 = arith.constant 0 : index
    %swap3A_82 = memref.load %arg7[%swap3A_80, %swap3A_81] : memref<1x1xf32, #tpu.memory_space<smem>>
    memref.store %add3A_79, %arg7[%swap3A_80, %swap3A_81] : memref<1x1xf32, #tpu.memory_space<smem>>
    %eq3A_83 = arith.constant 15 : i32
    %eq3A_84 = arith.cmpi eq, %arg0, %eq3A_83 : i32
    %convert_element_type3A_85 = arith.extui %eq3A_84 : i1 to i32
    %cond3A_86 = arith.constant 0 : i32
    %cond3A_87 = arith.cmpi ne, %convert_element_type3A_85, %cond3A_86 : i32
    scf.if %cond3A_87 {
      %get3A_88 = arith.constant 0 : index
      %get3A_89 = arith.constant 0 : index
      %get3A_90 = memref.load %arg7[%get3A_88, %get3A_89] : memref<1x1xf32, #tpu.memory_space<smem>>
      %div3A_91 = arith.constant 0x4A000000 : f32
      %div3A_92 = arith.divf %get3A_90, %div3A_91 : f32
      %swap3A_93 = arith.constant 0 : index
      %swap3A_94 = arith.constant 0 : index
      %swap3A_95 = memref.load %arg7[%swap3A_93, %swap3A_94] : memref<1x1xf32, #tpu.memory_space<smem>>
      memref.store %div3A_92, %arg7[%swap3A_93, %swap3A_94] : memref<1x1xf32, #tpu.memory_space<smem>>
    } else {
    }
    return
  }
  func.func @transform_0(%arg0: i32) -> (i32, i32) {
    %c0_i32 = arith.constant 0 : i32
    %c0_i32_0 = arith.constant 0 : i32
    return %arg0, %c0_i32 : i32, i32
  }
  func.func @transform_1(%arg0: i32) -> (i32, i32) {
    %c0_i32 = arith.constant 0 : i32
    %c0_i32_0 = arith.constant 0 : i32
    %c0_i32_1 = arith.constant 0 : i32
    return %c0_i32, %c0_i32_0 : i32, i32
  }
  func.func @transform_2(%arg0: i32) -> (i32, i32) {
    %c0_i32 = arith.constant 0 : i32
    %c0_i32_0 = arith.constant 0 : i32
    %c0_i32_1 = arith.constant 0 : i32
    return %c0_i32, %c0_i32_0 : i32, i32
  }
  func.func @transform_3(%arg0: i32) -> (i32, i32) {
    %c0_i32 = arith.constant 0 : i32
    %c0_i32_0 = arith.constant 0 : i32
    %c0_i32_1 = arith.constant 0 : i32
    return %c0_i32, %c0_i32_0 : i32, i32
  }
  func.func @transform_4(%arg0: i32) -> (i32, i32, i32) {
    %c0_i32 = arith.constant 0 : i32
    %c0_i32_0 = arith.constant 0 : i32
    %c0_i32_1 = arith.constant 0 : i32
    return %arg0, %c0_i32, %c0_i32_0 : i32, i32, i32
  }
  func.func @transform_5(%arg0: i32) -> (i32, i32, i32) {
    %c0_i32 = arith.constant 0 : i32
    %c0_i32_0 = arith.constant 0 : i32
    %c0_i32_1 = arith.constant 0 : i32
    return %arg0, %c0_i32, %c0_i32_0 : i32, i32, i32
  }
  func.func @transform_6(%arg0: i32) -> (i32, i32) {
    %c0_i32 = arith.constant 0 : i32
    %c0_i32_0 = arith.constant 0 : i32
    %c0_i32_1 = arith.constant 0 : i32
    return %c0_i32, %c0_i32_0 : i32, i32
  }
}

</mosaic_0001>

<sc_bundles>
// kernel: kernel.4.cloned.1.call-start
scs
__scs_entry_jumppad:
0x0: {  	(pc) =	sbr.rel $0x88, $3  }
0x1: {  	(tag) =	ssettag $0x0;
	lr =	simm.s32 $0x1  }
0x2: {  	[smem:$0x3F9F] =	sst lr;
	_ =	strace $0xD0000000  }
0x3: {  	_ = 	snop  }
0x4: {  	_ = 	snop  }
0x5: {  	_ = 	snop  }
0x6: {  	_ = 	snop  }
0x7: {  	_ = 	snop  }
__scs_overlays_trampoline_lowered:
0x8: {  	[smem:$0x3FAE] =	sst s0  }
0x9: {  	[smem:$0x3FAF] =	sst s1  }
0xa: {  	[smem:$0x3FB0] =	sst s2  }
0xb: {  	[smem:$0x3FB1] =	sst s3  }
0xc: {  	[smem:$0x3FB2] =	sst s4  }
0xd: {  	[smem:$0x3FB3] =	sst s5  }
0xe: {  	[smem:$0x3FB4] =	sst s6  }
0xf: {  	[smem:$0x3FB5] =	sst s7  }
0x10: {  	[smem:$0x3FB6] =	sst s8  }
0x11: {  	[smem:$0x3FB7] =	sst s9;
	s0 =	simm.s32 @!p0 $0x0  }
0x12: {  	s1 =	sld [smem:$0x3F9D];
	s0 =	simm.s32 @p0 $0x1  }
0x13: {  	[smem:$0x3FB8] =	sst s0;
	s0 =	simm.s32 @!p1 $0x0  }
0x14: {  	s2 =	sld [smem:$0x3F9C];
	s0 =	simm.s32 @p1 $0x1  }
0x15: {  	[smem:$0x3FB9] =	sst s0;
	s0 =	simm.s32 @!p2 $0x0  }
0x16: {  	s3 =	sld [smem:$0x3FDB];
	s0 =	simm.s32 @p2 $0x1  }
0x17: {  	s4 =	simm.s32 $0x1BF5;
	[smem:$0x3FBB] =	sst s0  }
0x18: {  	s0 =	sld [smem:$0x3F9E];
	_ =	swait.ge [sflag:s4], $0x0  }
0x19: {  	s7 =	sld [smem:$0x3F9F]  }
0x1a: {  	s8 =	sadd.s32 $0xFFFFE003, lr  }
0x1b: {  	s9 =	sadd.s32 $0xFFFFFEF7, lr;
	s5 =	simm.s32 $0xFFFFFFFF;
	p2 =	slt.u32 s8, $0xFFFFF086  }
0x1c: {  	p1 =	slt.u32 s9, $0xF7A;
	s5 =	simm.s32 @!p2 $0x0  }
0x1d: {  	s5 =	simm.s32 @p1 $0x1;
	p0 =	seq.s32 s7, s2  }
0x1e: {  	s7 =	smul.u32 @!p0 $0xF7A, s2;
	p2 =	seq.s32 @!p0 s5, $0x0  }
0x1f: {  	s9 =	smul.u32 $0xF7A, s1;
	s8 =	simm.s32 @!p0 $0x1BF5;
	p2 =	por !p2, p0  }
0x20: {  	[sflag:s8] =	ssyncset.s32 @!p0 $0xFFFFF086;
	s6 =	sadd.s32 @!p0 s3, s7;
	s7 =	simm.s32 @!p0 $0x108  }
0x21: {  	s3 =	sadd.s32 s3, s9;
	s6 =	sadd.s32 @!p0 $0x88, s6;
	s7 =	simm.s32 @p2 $0x1082  }
0x22: {  	[simem:s7], [sflag:s8] =	dma.local @!p0 [hbm:s6], $0xF7A  }
0x23: {  	s9 =	sor.u32 $0xD0000000, s2;
	s6 =	simm.s32 $0x108;
	_ =	swait.ge @!p0 [sflag:s8], $0x0  }
0x24: {  	s3 =	sadd.s32 $0x88, s3;
	s6 =	simm.s32 @!p1 $0x1082;
	[sflag:s4] =	ssyncset.s32 $0xFFFFF086  }
0x25: {  	[simem:s6], [sflag:s4] =	dma.local [hbm:s3], $0xF7A  }
0x26: {  	[smem:$0x3F9F] =	sst s1;
	(tag) =	ssettag s2;
	_ =	strace s9  }
0x27: {  	s1 =	sld [smem:$0x3FAF]  }
0x28: {  	s2 =	sld [smem:$0x3FB0]  }
0x29: {  	s4 =	sld [smem:$0x3FB2]  }
0x2a: {  	p0 =	seq.s32 s5, $0x0;
	s5 =	sld [smem:$0x3FB3]  }
0x2b: {  	s6 =	sld [smem:$0x3FB4]  }
0x2c: {  	s7 =	sld [smem:$0x3FB5]  }
0x2d: {  	s3 =	simm.s32 $0x108;
	s8 =	sld [smem:$0x3FB6]  }
0x2e: {  	s3 =	simm.s32 @!p0 $0x1082;
	s9 =	sld [smem:$0x3FB7]  }
0x2f: {  	lr =	sadd.s32 s0, s3;
	s0 =	sld [smem:$0x3FAE]  }
0x30: {  	s3 =	sld [smem:$0x3FB1]  }
0x31: {  	[smem:$0x3FBA] =	sst s10  }
0x32: {  	s10 =	sld [smem:$0x3FB8];
	_ =	sdelay $0x3  }
0x33: {  	p0 =	seq.s32 s10, $0x1;
	s10 =	sld [smem:$0x3FBA];
	_ =	sdelay $0x3  }
0x34: {  	[smem:$0x3FBA] =	sst s10  }
0x35: {  	s10 =	sld [smem:$0x3FB9];
	_ =	sdelay $0x3  }
0x36: {  	p1 =	seq.s32 s10, $0x1;
	s10 =	sld [smem:$0x3FBA];
	_ =	sdelay $0x3  }
0x37: {  	[smem:$0x3FBA] =	sst s10  }
0x38: {  	s10 =	sld [smem:$0x3FBB]  }
0x39: {  	_ = 	snop;
	(pc) =	sbr.ind lr, $3  }
0x3a: {  	_ = 	snop  }
0x3b: {  	_ = 	snop  }
0x3c: {  	p2 =	seq.s32 s10, $0x1;
	s10 =	sld [smem:$0x3FBA]  }
0x3d: {  	_ =	shalt  }
0x3e: {  	_ =	shalt  }
0x3f: {  	_ =	shalt  }
0x40: {  	_ =	shalt  }
0x41: {  	_ =	shalt  }
0x42: {  	_ =	shalt  }
0x43: {  	_ =	shalt  }
0x44: {  	_ =	shalt  }
0x45: {  	_ =	shalt  }
0x46: {  	_ =	shalt  }
0x47: {  	_ =	shalt  }
0x48: {  	_ =	shalt  }
0x49: {  	_ =	shalt  }
0x4a: {  	_ =	shalt  }
0x4b: {  	_ =	shalt  }
0x4c: {  	_ =	shalt  }
0x4d: {  	_ =	shalt  }
0x4e: {  	_ =	shalt  }
0x4f: {  	_ =	shalt  }
0x50: {  	_ =	shalt  }
0x51: {  	_ =	shalt  }
0x52: {  	_ =	shalt  }
0x53: {  	_ =	shalt  }
0x54: {  	_ =	shalt  }
0x55: {  	_ =	shalt  }
0x56: {  	_ =	shalt  }
0x57: {  	_ =	shalt  }
0x58: {  	_ =	shalt  }
0x59: {  	_ =	shalt  }
0x5a: {  	_ =	shalt  }
0x5b: {  	_ =	shalt  }
0x5c: {  	_ =	shalt  }
0x5d: {  	_ =	shalt  }
0x5e: {  	_ =	shalt  }
0x5f: {  	_ =	shalt  }
0x60: {  	_ =	shalt  }
0x61: {  	_ =	shalt  }
0x62: {  	_ =	shalt  }
0x63: {  	_ =	shalt  }
0x64: {  	_ =	shalt  }
0x65: {  	_ =	shalt  }
0x66: {  	_ =	shalt  }
0x67: {  	_ =	shalt  }
0x68: {  	_ =	shalt  }
0x69: {  	_ =	shalt  }
0x6a: {  	_ =	shalt  }
0x6b: {  	_ =	shalt  }
0x6c: {  	_ =	shalt  }
0x6d: {  	_ =	shalt  }
0x6e: {  	_ =	shalt  }
0x6f: {  	_ =	shalt  }
0x70: {  	_ =	shalt  }
0x71: {  	_ =	shalt  }
0x72: {  	_ =	shalt  }
0x73: {  	_ =	shalt  }
0x74: {  	_ =	shalt  }
0x75: {  	_ =	shalt  }
0x76: {  	_ =	shalt  }
0x77: {  	_ =	shalt  }
0x78: {  	_ =	shalt  }
0x79: {  	_ =	shalt  }
0x7a: {  	_ =	shalt  }
0x7b: {  	_ =	shalt  }
0x7c: {  	_ =	shalt  }
0x7d: {  	_ =	shalt  }
0x7e: {  	_ =	shalt  }
0x7f: {  	_ =	shalt  }
0x80: {  	_ =	shalt  }
0x81: {  	_ =	shalt  }
0x82: {  	_ =	shalt  }
0x83: {  	_ =	shalt  }
0x84: {  	_ =	shalt  }
0x85: {  	_ =	shalt  }
0x86: {  	_ =	shalt  }
0x87: {  	_ =	shalt  }
.Lfunc_end0:
.L_simem_size_0:
called_computation_lowered:
.L_overlay_start_0:
0x88: {  	s2 =	sld [smem:$0x3FD9]  }
0x89: {  	s3 =	sld [smem:$0x3FFE];
	_ =	sdelay $0x1  }
0x8a: {  	s1 =	srdreg.scid  }
0x8b: {  	s0 =	sand.u32 $0x1, s1  }
0x8c: {  	s14 =	sshll.u32 s0, $0xA;
	s2 =	sadd.s32 s3, s2  }
0x8d: {  	s2 =	sadd.s32 s2, s14  }
0x8e: {  	[smem:$0x3FC6] =	sst s2  }
0x8f: {  	_ = 	snop  }
0x90: {  	s2 =	sld [smem:$0x3FD0];
	_ =	sdelay $0x2  }
0x91: {  	s15 =	simm.s32 $0xA;
	s4 =	simm.s32 $0x10  }
0x92: {  	[smem:s4], [sflag:s15] =	dma.local [hbm:s2], $0x1  }
0x93: {  	_ =	swait.eq [sflag:s15], $0x1  }
0x94: {  	[sflag:s15] =	ssyncset.done $0x0  }
0x95: {  	[sflag:s15] =	ssyncadd.s32 $0xFFFFFFFF  }
0x96: {  	s16 =	sld [smem:$0x10];
	(tm) =	ssettm $0x1  }
0x97: {  	s17 =	sld [smem:$0x3FFB];
	_ =	sdelay $0x3  }
0x98: {  	_ =	strace s17  }
0x99: {  	s3 =	sld [smem:$0x3FFC];
	_ =	sdelay $0x3  }
0x9a: {  	_ =	strace s3  }
0x9b: {  	s3 =	sld [smem:$0x3FFD];
	_ =	sdelay $0x3  }
0x9c: {  	_ =	strace s3  }
0x9d: {  	_ =	strace $0x8FFFFFFF  }
0x9e: {  	s18 =	sld [smem:$0x3FDB];
	_ =	sdelay $0x1  }
0x9f: {  	s19 =	simm.s32 $_scs_section_size  }
0xa0: {  	s5 =	simm.s32 $_size__tile_overlayer_lowered;
	s6 =	simm.s32 $_tile_overlayer_lowered  }
0xa1: {  	s22 =	simm.s32 $0x1BFF;
	s21 =	sshll.u32 s6, $0x1;
	s3 =	sadd.s32 s19, s18  }
0xa2: {  	s7 =	simm.s32 $0x0;
	s20 =	sshll.u32 s5, $0x1;
	s5 =	sadd.s32 s21, s3  }
0xa3: {  	[timem:s7], [sflag:s22] =	dma.local [hbm:s5], s20  }
0xa4: {  	_ =	swait.ge [sflag:s22], s20  }
0xa5: {  	s4 =	ssub.s32 $0x0, s20;
	[sflag:s22] =	ssyncset.done $0x0  }
0xa6: {  	[sflag:s22] =	ssyncadd.s32 s4;
	_ =	sdelay $0x1  }
0xa7: {  	s23 =	simm.s32 $0x1B8B  }
0xa8: {  	_ =	swait.ge [sflag:s23], $0x1  }
0xa9: {  	[sflag:s23] =	ssyncset.done $0x0  }
0xaa: {  	s25 =	simm.s32 $0x1B8E;
	s24 =	sld [smem:$0x3FFE];
	[sflag:s23] =	ssyncadd.s32 $0xFFFFFFFF  }
0xab: {  	s26 =	simm.s32 $execute0_lowered;
	[smem:$0x3FD2] =	sst s25  }
0xac: {  	s5 =	sshll.u32 s26, $0x1;
	_ =	strace $0x80000046;
	[dreg:$0x1] =	wrdreg $0xFFFFFFFF  }
0xad: {  	s28 =	simm.s32 $_size_execute0_lowered;
	s3 =	sadd.s32 s3, s5;
	[dreg:$0x0] =	wrdreg $0x0  }
0xae: {  	s5 =	sshll.u32 s28, $0x1;
	[dreg:$0x2] =	wrdreg s3  }
0xaf: {  	[dreg:$0x3] =	wrdreg s5  }
0xb0: {  	[dreg:$0x4] =	wrdreg $0xC0  }
0xb1: {  	_ =	task [dreg:s7], $0x5FFFF  }
0xb2: {  	[dreg:$0x1] =	wrdreg $0xFFFFFFFF  }
0xb3: {  	[dreg:$0x0] =	wrdreg $0x60  }
0xb4: {  	[dreg:$0x2] =	wrdreg s24  }
0xb5: {  	[dreg:$0x3] =	wrdreg s16  }
0xb6: {  	[dreg:$0x4] =	wrdreg $0x9  }
0xb7: {  	_ =	task.clear_ibuf [dreg:s7], $0x5FFFF;
	_ =	strace $0x90000046  }
0xb8: {  	s29 =	simm.s32 $0x9;
	_ =	strace $0x80000048  }
0xb9: {  	_ =	swait.ge [sflag:s29], $0x1  }
0xba: {  	[sflag:s29] =	ssyncadd.s32 $0xFFFFFFFF  }
0xbb: {  	_ =	strace $0x90000048  }
0xbc: {  	_ =	sfence  }
0xbd: {  	s30 =	sld [smem:$0x0];
	_ =	sdelay $0x2  }
0xbe: {  	s31 =	sshll.u32 s1, $0xD;
	s1 =	sshrl.u32 s1, $0x2  }
0xbf: {  	s3 =	sand.u32 $0x4000, s31;
	s1 =	sadd.s32 s1, s30  }
0xc0: {  	s0 =	sor.u32 s3, s0;
	s1 =	sshll.u32 s1, $0x11  }
0xc1: {  	s0 =	sor.u32 s1, s0  }
0xc2: {  	s0 =	sadd.s32 $0x8F2B, s0  }
0xc3: {  	[sflag:s0] =	ssyncadd.remote.s32 $0x1  }
0xc4: {  	_ =	sfence.sel $0xFFFF  }
0xc5: {  	[dreg:$0x0] =	wrdreg $0xFFFFFFFF;
	(pc) =	sbr.abs _section_cstart, $3  }
0xc6: {  	[dreg:$0x1] =	wrdreg $0xFFFFFFFF  }
0xc7: {  	_ =	task.clear_ibuf [dreg:s7], $0x2FFFF;
	_ =	strace $0x9FFFFFFF  }
0xc8: {  	(tm) =	ssettm $0x7FFFFFFF  }
0xc9: {  	_ =	shalt  }
tec
execute0_lowered:
.L_overlay_start_1:
0x0: {  	(tag) =	ssettag $0x1  }
0x1: {  	s1 =	srdreg.scid;
	s0 =	stileid.u32  }
0x2: {  	s5 =	rddreg [dreg:$0x0];
	s24 =	sand.u32 $0x1, s1;
	s30 =	sshll.u32 s0, $0x1  }
0x3: {  	s22 =	rddreg [dreg:$0x1];
	s23 =	sor.u32 s24, s30  }
0x4: {  	s2 =	simm.s32 $0x0;
	s1 =	rddreg [dreg:$0x2];
	s3 =	sshll.u32 s23, $0x7  }
0x5: {  	[smem:$0x7FF] =	sst s2;
	s3 =	sadd.s32 s3, s5  }
0x6: {  	_ =	strace $0x80000047;
	s4 =	sadd.s32 $0x2E00, s3;
	s3 =	simm.s32 $0x2  }
0x7: {  	[tilespmem:s2], [sflag:$0x2] =	stream.linear.gather [hbm4b:s4+s2], $0x400, $0x38;
	[tilespmem:$0x10400] =	vst v63  }
0x8: {  	_ =	swait.ge [sflag:s3], $0x400  }
0x9: {  	s6 =	simm.s32 $0x80;
	[sflag:s3] =	ssyncset.done $0x0  }
0xa: {  	s7 =	simm.s32 $0x400;
	s5 =	sadd.s32 $0xE00, s5;
	[sflag:s3] =	ssyncadd.s32 $0xFFFFFC00  }
0xb: {  	[tilespmem:s7], [sflag:$0x1] =	stream.indirect.gather [hbm4b:s5+s6], $0x40, s2, s6, $0xb8;
	[tilespmem:$0x10400] =	vst v63  }
0xc: {  	s8 =	simm.s32 $0x2400  }
0xd: {  	[tilespmem:s8], [sflag:$0x1] =	stream.indirect.gather [hbm4b:s5+s6], $0x40, s6, s6, $0xb8;
	[tilespmem:$0x10400] =	vst v63  }
0xe: {  	s9 =	simm.s32 $0x100;
	s10 =	simm.s32 $0x4400  }
0xf: {  	[tilespmem:s10], [sflag:$0x1] =	stream.indirect.gather [hbm4b:s5+s6], $0x40, s9, s6, $0xb8;
	[tilespmem:$0x10400] =	vst v63  }
0x10: {  	s11 =	simm.s32 $0x180;
	s12 =	simm.s32 $0x6400  }
0x11: {  	[tilespmem:s12], [sflag:$0x1] =	stream.indirect.gather [hbm4b:s5+s6], $0x40, s11, s6, $0xb8;
	[tilespmem:$0x10400] =	vst v63  }
0x12: {  	s13 =	simm.s32 $0x200;
	s14 =	simm.s32 $0x8400  }
0x13: {  	[tilespmem:s14], [sflag:$0x1] =	stream.indirect.gather [hbm4b:s5+s6], $0x40, s13, s6, $0xb8;
	[tilespmem:$0x10400] =	vst v63  }
0x14: {  	s15 =	simm.s32 $0x280;
	s16 =	simm.s32 $0xA400  }
0x15: {  	[tilespmem:s16], [sflag:$0x1] =	stream.indirect.gather [hbm4b:s5+s6], $0x40, s15, s6, $0xb8;
	[tilespmem:$0x10400] =	vst v63  }
0x16: {  	s17 =	simm.s32 $0x300;
	s18 =	simm.s32 $0xC400  }
0x17: {  	[tilespmem:s18], [sflag:$0x1] =	stream.indirect.gather [hbm4b:s5+s6], $0x40, s17, s6, $0xb8;
	[tilespmem:$0x10400] =	vst v63  }
0x18: {  	s19 =	simm.s32 $0x380;
	s20 =	simm.s32 $0xE400;
	s21 =	simm.s32 $0x1  }
0x19: {  	[tilespmem:s20], [sflag:$0x1] =	stream.indirect.gather [hbm4b:s5+s6], $0x40, s19, s6, $0xb8;
	[tilespmem:$0x10400] =	vst v63  }
0x1a: {  	_ =	swait.ge [sflag:s21], $0x2000  }
0x1b: {  	[sflag:s21] =	ssyncset.done $0x0  }
0x1c: {  	[sflag:s21] =	ssyncadd.s32 $0xFFFFE000  }
0x1d: {  	_ =	swait.ge [sflag:s21], $0x2000  }
0x1e: {  	[sflag:s21] =	ssyncset.done $0x0  }
0x1f: {  	[sflag:s21] =	ssyncadd.s32 $0xFFFFE000  }
0x20: {  	_ =	swait.ge [sflag:s21], $0x2000  }
0x21: {  	[sflag:s21] =	ssyncset.done $0x0  }
0x22: {  	[sflag:s21] =	ssyncadd.s32 $0xFFFFE000  }
0x23: {  	_ =	swait.ge [sflag:s21], $0x2000  }
0x24: {  	[sflag:s21] =	ssyncset.done $0x0  }
0x25: {  	[sflag:s21] =	ssyncadd.s32 $0xFFFFE000  }
0x26: {  	_ =	swait.ge [sflag:s21], $0x2000  }
0x27: {  	[sflag:s21] =	ssyncset.done $0x0  }
0x28: {  	[sflag:s21] =	ssyncadd.s32 $0xFFFFE000  }
0x29: {  	_ =	swait.ge [sflag:s21], $0x2000  }
0x2a: {  	[sflag:s21] =	ssyncset.done $0x0  }
0x2b: {  	s24 =	ssub.s32 $0x2, s24;
	[sflag:s21] =	ssyncadd.s32 $0xFFFFE000  }
0x2c: {  	s25 =	sshrl.u32 s24, $0x1;
	_ =	swait.ge [sflag:s21], $0x2000  }
0x2d: {  	s24 =	ssub.s32 s24, s25;
	[sflag:s21] =	ssyncset.done $0x0  }
0x2e: {  	s31 =	smax.u32 s24, $0x1;
	[sflag:s21] =	ssyncadd.s32 $0xFFFFE000  }
0x2f: {  	p0 =	sne.s32 s31, $0x1;
	_ =	swait.ge [sflag:s21], $0x2000  }
.Ltmp0:
0x30: {  	s23 =	sshll.u32 s23, $0xD;
	[sflag:s21] =	ssyncset.done $0x0;
	(pc) =	sbr.rel @!p0 .LBB2_2-.Ltmp0, $4  }
0x31: {  	s22 =	sadd.s32 s22, s23;
	[sflag:s21] =	ssyncadd.s32 $0xFFFFE000  }
0x32: {  	[hbm4b:s22+s2] =	stream.linear.scatter [tilespmem:s7], [sflag:$0x2], $0x10000, $0x38;
	[tilespmem:$0x10400] =	vst v63  }
0x33: {  	_ =	swait.ge [sflag:s3], $0x10000  }
0x34: {  	s23 =	sadd.s32 $0xFFFFFFFF, s31;
	[sflag:s3] =	ssyncset.done $0x0  }
.LBB2_1:
0x35: {  	p0 =	sne.s32 s23, $0x1;
	s23 =	sadd.s32 $0xFFFFFFFF, s23;
	[sflag:s3] =	ssyncadd.s32 $0xFFFF0000  }
0x36: {  	[tilespmem:s2], [sflag:$0x2] =	stream.linear.gather [hbm4b:s4+s2], $0x400, $0x38;
	[tilespmem:$0x10400] =	vst v63  }
0x37: {  	_ =	swait.ge [sflag:s3], $0x400  }
0x38: {  	[sflag:s3] =	ssyncset.done $0x0  }
0x39: {  	[sflag:s3] =	ssyncadd.s32 $0xFFFFFC00  }
0x3a: {  	[tilespmem:s7], [sflag:$0x1] =	stream.indirect.gather [hbm4b:s5+s6], $0x40, s2, s6, $0xb8;
	[tilespmem:$0x10400] =	vst v63  }
0x3b: {  	_ = 	snop  }
0x3c: {  	[tilespmem:s8], [sflag:$0x1] =	stream.indirect.gather [hbm4b:s5+s6], $0x40, s6, s6, $0xb8;
	[tilespmem:$0x10400] =	vst v63  }
0x3d: {  	_ = 	snop  }
0x3e: {  	[tilespmem:s10], [sflag:$0x1] =	stream.indirect.gather [hbm4b:s5+s6], $0x40, s9, s6, $0xb8;
	[tilespmem:$0x10400] =	vst v63  }
0x3f: {  	_ = 	snop  }
0x40: {  	[tilespmem:s12], [sflag:$0x1] =	stream.indirect.gather [hbm4b:s5+s6], $0x40, s11, s6, $0xb8;
	[tilespmem:$0x10400] =	vst v63  }
0x41: {  	_ = 	snop  }
0x42: {  	[tilespmem:s14], [sflag:$0x1] =	stream.indirect.gather [hbm4b:s5+s6], $0x40, s13, s6, $0xb8;
	[tilespmem:$0x10400] =	vst v63  }
0x43: {  	_ = 	snop  }
0x44: {  	[tilespmem:s16], [sflag:$0x1] =	stream.indirect.gather [hbm4b:s5+s6], $0x40, s15, s6, $0xb8;
	[tilespmem:$0x10400] =	vst v63  }
0x45: {  	_ = 	snop  }
0x46: {  	[tilespmem:s18], [sflag:$0x1] =	stream.indirect.gather [hbm4b:s5+s6], $0x40, s17, s6, $0xb8;
	[tilespmem:$0x10400] =	vst v63  }
0x47: {  	_ = 	snop  }
0x48: {  	[tilespmem:s20], [sflag:$0x1] =	stream.indirect.gather [hbm4b:s5+s6], $0x40, s19, s6, $0xb8;
	[tilespmem:$0x10400] =	vst v63  }
0x49: {  	_ =	swait.ge [sflag:s21], $0x2000  }
0x4a: {  	[sflag:s21] =	ssyncset.done $0x0  }
0x4b: {  	[sflag:s21] =	ssyncadd.s32 $0xFFFFE000  }
0x4c: {  	_ =	swait.ge [sflag:s21], $0x2000  }
0x4d: {  	[sflag:s21] =	ssyncset.done $0x0  }
0x4e: {  	[sflag:s21] =	ssyncadd.s32 $0xFFFFE000  }
0x4f: {  	_ =	swait.ge [sflag:s21], $0x2000  }
0x50: {  	[sflag:s21] =	ssyncset.done $0x0  }
0x51: {  	[sflag:s21] =	ssyncadd.s32 $0xFFFFE000  }
0x52: {  	_ =	swait.ge [sflag:s21], $0x2000  }
0x53: {  	[sflag:s21] =	ssyncset.done $0x0  }
0x54: {  	[sflag:s21] =	ssyncadd.s32 $0xFFFFE000  }
0x55: {  	_ =	swait.ge [sflag:s21], $0x2000  }
0x56: {  	[sflag:s21] =	ssyncset.done $0x0  }
0x57: {  	[sflag:s21] =	ssyncadd.s32 $0xFFFFE000  }
0x58: {  	_ =	swait.ge [sflag:s21], $0x2000  }
0x59: {  	[sflag:s21] =	ssyncset.done $0x0  }
0x5a: {  	[sflag:s21] =	ssyncadd.s32 $0xFFFFE000  }
0x5b: {  	_ =	swait.ge [sflag:s21], $0x2000  }
0x5c: {  	[sflag:s21] =	ssyncset.done $0x0  }
0x5d: {  	[sflag:s21] =	ssyncadd.s32 $0xFFFFE000  }
0x5e: {  	_ =	swait.ge [sflag:s21], $0x2000  }
.Ltmp1:
0x5f: {  	[sflag:s21] =	ssyncset.done $0x0;
	(pc) =	sbr.rel @p0 .LBB2_1-.Ltmp1, $4  }
0x60: {  	[sflag:s21] =	ssyncadd.s32 $0xFFFFE000  }
0x61: {  	[hbm4b:s22+s2] =	stream.linear.scatter [tilespmem:s7], [sflag:$0x2], $0x10000, $0x38;
	[tilespmem:$0x10400] =	vst v63  }
0x62: {  	_ =	swait.ge [sflag:s3], $0x10000  }
0x63: {  	[sflag:s3] =	ssyncset.done $0x0  }
.LBB2_2:
0x64: {  	[sflag:s3] =	ssyncadd.s32 $0xFFFF0000  }
0x65: {  	_ =	sfence.sel $0x180000  }
0x66: {  	[bflag:$0x0] =	sbarrier.arrive $0xFFFF  }
0x67: {  	p0 =	sne.s32 s0, $0x0;
	_ =	strace $0x90000047  }
0x68: {  	s0 =	sadd.s32 @!p0 $0x100000, s1;
	[bflag:$0x2] =	sbarrier.arrive $0xFFFF  }
0x69: {  	[sflag:s0] =	ssyncadd.tile.s32 @!p0 $0x1;
	_ =	shalt  }
.Lfunc_end2:
_tile_overlayer_lowered:
.L_overlay_start_2:
0x6a: {  	(tag) =	ssettag $0x2  }
0x6b: {  	s0 =	rddreg [dreg:$0x0];
	s2 =	stileid.u32  }
0x6c: {  	s1 =	rddreg [dreg:$0x1];
	p0 =	sne.s32 s2, $0x0  }
0x6d: {  	s3 =	rddreg [dreg:$0x2];
	[bflag:$0x3] =	sbarrier.arrive $0xFFFF;
	s2 =	simm.s32 @!p0 $0x1C02  }
0x6e: {  	[timem:s3], [sflag:s2] =	dma.local @!p0 [hbm:s0], s1  }
0x6f: {  	s0 =	simm.s32 @!p0 $0x2  }
0x70: {  	_ =	swait.ge @!p0 [sflag:s0], s1  }
0x71: {  	s1 =	ssub.s32 @!p0 $0x0, s1;
	[sflag:s0] =	ssyncset.done @!p0 $0x0  }
0x72: {  	[sflag:s0] =	ssyncadd.s32 @!p0 s1  }
0x73: {  	[bflag:$0x3] =	sbarrier.arrive $0xFFFF  }
0x74: {  	_ =	shalt  }

</sc_bundles>
